<compile_context>
chip_gen: v7x
topology: tpu7x:2x2x1
jax: 0.10.2.dev20260603
libtpu: 0.0.44.dev20260713+nightly
codegen_flags: <defaults>
</compile_context>

<pallas_src>
import functools

import jax
import jax.numpy as jnp
from jax import lax
from jax.experimental import pallas as pl
from jax.experimental.pallas import tpu as pltpu
from jax.experimental.pallas import tpu_sc as plsc

_B = 1024
_L = 50
_LP = 56
_V = 1000
_D = 1000
_DP = 1024
_NT = _DP // 128

_NC = 2
_NS = 16
_NW = _NC * _NS
_B_PER_W = _B // _NW
_NBUF = 2


def _make_sc_gather():
    mesh = plsc.VectorSubcoreMesh(core_axis_name="c", subcore_axis_name="s")

    @functools.partial(
        pl.kernel,
        mesh=mesh,
        out_type=jax.ShapeDtypeStruct((_B, _LP, _NT, 128), jnp.float32),
        scratch_types=[
            pltpu.VMEM((_B_PER_W * _LP,), jnp.int32),
        ]
        + [pltpu.VMEM((_LP, _NT, 128), jnp.float32) for _ in range(_NBUF)]
        + [pltpu.SemaphoreType.DMA for _ in range(2 * _NBUF)],
    )
    def gather_kernel(idx_hbm, tab_hbm, out_hbm, idx_v, *rest):
        buf = rest[:_NBUF]
        gsem = rest[_NBUF:2 * _NBUF]
        wsem = rest[2 * _NBUF:3 * _NBUF]

        sid = lax.axis_index("s")
        wid = sid * _NC + lax.axis_index("c")
        ibase = wid * _B_PER_W * _LP

        pltpu.sync_copy(idx_hbm.at[pl.ds(ibase, _B_PER_W * _LP)], idx_v)

        def start_gather(c, s):
            idx = idx_v.at[pl.ds(c * _LP, _LP)]
            pltpu.async_copy(tab_hbm.at[idx], buf[s], gsem[s])

        def wait_gather(c, s):
            idx = idx_v.at[pl.ds(c * _LP, _LP)]
            pltpu.make_async_copy(tab_hbm.at[idx], buf[s], gsem[s]).wait()

        def start_write(c, s):
            bg = wid * _B_PER_W + c
            pltpu.async_copy(buf[s], out_hbm.at[bg], wsem[s])

        def wait_write(c, s):
            bg = wid * _B_PER_W + c
            pltpu.make_async_copy(buf[s], out_hbm.at[bg], wsem[s]).wait()

        for s in range(_NBUF):
            start_gather(s, s)

        def body(r, carry):
            cb = r * _NBUF
            for s in range(_NBUF):
                wait_gather(cb + s, s)
                start_write(cb + s, s)
            @pl.when(r + 1 < _B_PER_W // _NBUF)
            def _():
                for s in range(_NBUF):
                    wait_write(cb + s, s)
                    start_gather(cb + _NBUF + s, s)
            return carry

        lax.fori_loop(0, _B_PER_W // _NBUF, body, 0)

        for s in range(_NBUF):
            wait_write(_B_PER_W - _NBUF + s, s)

    return gather_kernel


_sc_gather = _make_sc_gather()

_BB = 8


def _tc_repack_body(in_ref, out_ref):
    for t in range(_NT):
        w = min(128, _D - 128 * t)
        out_ref[:, :, pl.ds(128 * t, w)] = in_ref[:, :_L, t, pl.ds(0, w)]


def _tc_repack(inter):
    return pl.pallas_call(
        _tc_repack_body,
        grid=(_B // _BB,),
        in_specs=[
            pl.BlockSpec((_BB, _LP, _NT, 128), lambda i: (i, 0, 0, 0)),
        ],
        out_specs=pl.BlockSpec((_BB, _L, _D), lambda i: (i, 0, 0)),
        out_shape=jax.ShapeDtypeStruct((_B, _L, _D), jnp.float32),
    )(inter)


def kernel(x, prob):
    xp = jnp.pad(x.astype(jnp.int32), ((0, 0), (0, _LP - _L)))
    tab3 = jnp.pad(prob, ((0, 0), (0, _DP - _D))).reshape(_V, _NT, 128)
    inter = _sc_gather(xp.reshape(-1), tab3)
    return _tc_repack(inter)

# --- scband reference (transcript-rebuilt; emitter-appended) ---
"""Pipeline reference for scband-ngram-85890755985981 (READ-ONLY COPY).

The authoritative reference and input builder live on the scoring server;
editing this copy changes nothing except your own understanding.
"""

import jax, jax.numpy as jnp
import numpy as np

VOCAB = 1000
B = 1024
L = 50

def setup_inputs(seed: int = 0) -> dict:
    key = jax.random.key(seed)
    k_idx, k_tab = jax.random.split(key)
    x = jax.random.randint(k_idx, (B, L), 0, VOCAB, dtype=jnp.int64 if jax.config.jax_enable_x64 else jnp.int32)
    prob = jax.random.normal(k_tab, (VOCAB, VOCAB), dtype=jnp.float32)
    return {"x": x, "prob": prob}

def reference(x, prob):
    # NGram.forward: self.prob[x] -> embedding lookup into [vocab, vocab] table
    return jnp.take(prob, x, axis=0)

if __name__ == "__main__":
    import jax
    _d = setup_inputs()
    print(jax.jit(kernel)(*tuple(_d.values())))

</pallas_src>

<mosaic_0001>
#map = affine_map<(d0, d1) -> (0)>
#map1 = affine_map<(d0, d1) -> (0, 0, 0)>
#map2 = affine_map<(d0, d1) -> (0, 0, 0, 0)>
module attributes {stable_mosaic.version = 14 : i64} {
  func.func @gather_kernel(%arg0: i32, %arg1: i32, %arg2: memref<57344xi32, #tpu.memory_space<hbm>>, %arg3: memref<1000x8x128xf32, #tpu.memory_space<hbm>>, %arg4: memref<1024x56x8x128xf32, #tpu.memory_space<hbm>>, %arg5: memref<1792xi32, #tpu.memory_space<vmem>>, %arg6: memref<56x8x128xf32, #tpu.memory_space<vmem>>, %arg7: memref<56x8x128xf32, #tpu.memory_space<vmem>>, %arg8: memref<!tpu.dma_semaphore, #tpu.memory_space<semaphore_mem>>, %arg9: memref<!tpu.dma_semaphore, #tpu.memory_space<semaphore_mem>>, %arg10: memref<!tpu.dma_semaphore, #tpu.memory_space<semaphore_mem>>, %arg11: memref<!tpu.dma_semaphore, #tpu.memory_space<semaphore_mem>>) attributes {dimension_semantics = [#tpu.dimension_semantics<core_parallel>, #tpu.dimension_semantics<subcore_parallel>], iteration_bounds = array<i64: 2, 16>, scalar_prefetch = 0 : i64, scratch_operands = 7 : i64, tpu.core_type = #tpu.core_type<sc_vector_subcore>, window_params = [{transform_indices = #map}, {transform_indices = #map1}, {transform_indices = #map2}]} {
    %mul3A = arith.constant 2 : i32
    %mul3A_0 = arith.muli %arg1, %mul3A : i32
    %add3A = arith.addi %mul3A_0, %arg0 : i32
    %mul3A_1 = arith.constant 32 : i32
    %mul3A_2 = arith.muli %add3A, %mul3A_1 : i32
    %mul3A_3 = arith.constant 56 : i32
    %mul3A_4 = arith.muli %mul3A_2, %mul3A_3 : i32
    "tpu.region"() ({
      %run_scoped3A = tpu.sem_alloc : memref<!tpu.dma_semaphore, #tpu.memory_space<semaphore_mem>>
      %dma_start3A_48 = tpu.memref_slice %arg2[%mul3A_4] : memref<57344xi32, #tpu.memory_space<hbm>> -> memref<1792xi32, #tpu.memory_space<hbm>>
      %dma_start3A_49 = tpu.memref_slice %arg2[%mul3A_4] : memref<57344xi32, #tpu.memory_space<hbm>> -> memref<1792xi32, #tpu.memory_space<hbm>>
      tpu.enqueue_dma source(%dma_start3A_49 : memref<1792xi32, #tpu.memory_space<hbm>>) target(%arg5 : memref<1792xi32, #tpu.memory_space<vmem>>) target_semaphore(%run_scoped3A : memref<!tpu.dma_semaphore, #tpu.memory_space<semaphore_mem>>)
      %dma_wait3A_50 = tpu.memref_slice %arg2[%mul3A_4] : memref<57344xi32, #tpu.memory_space<hbm>> -> memref<1792xi32, #tpu.memory_space<hbm>>
      %dma_wait3A_51 = tpu.memref_slice %arg2[%mul3A_4] : memref<57344xi32, #tpu.memory_space<hbm>> -> memref<1792xi32, #tpu.memory_space<hbm>>
      tpu.wait_dma2 semaphore(%run_scoped3A : memref<!tpu.dma_semaphore, #tpu.memory_space<semaphore_mem>>) src(%dma_wait3A_51 : memref<1792xi32, #tpu.memory_space<hbm>>) dst(%arg5 : memref<1792xi32, #tpu.memory_space<vmem>>)
      tpu.yield
    }) : () -> ()
    %dma_start3A = arith.constant 0 : i32
    %dma_start3A_5 = tpu.memref_slice %arg5[%dma_start3A] : memref<1792xi32, #tpu.memory_space<vmem>> -> memref<56xi32, #tpu.memory_space<vmem>>
    %dma_start3A_6 = arith.constant 0 : i32
    %dma_start3A_7 = arith.constant 0 : i32
    %dma_start3A_8 = arith.constant 0 : i32
    %dma_start3A_9 = tpu.memref_slice %arg3[%dma_start3A_6, %dma_start3A_7, %dma_start3A_8] : memref<1000x8x128xf32, #tpu.memory_space<hbm>> -> memref<1000x8x128xf32, #tpu.memory_space<hbm>>
    tpu.enqueue_indirect_dma source(%dma_start3A_9 : memref<1000x8x128xf32, #tpu.memory_space<hbm>>) target(%arg6 : memref<56x8x128xf32, #tpu.memory_space<vmem>>) offsets(%dma_start3A_5 : memref<56xi32, #tpu.memory_space<vmem>>) semaphore(%arg8 : memref<!tpu.dma_semaphore, #tpu.memory_space<semaphore_mem>>)
    %dma_start3A_10 = arith.constant 56 : i32
    %dma_start3A_11 = tpu.memref_slice %arg5[%dma_start3A_10] : memref<1792xi32, #tpu.memory_space<vmem>> -> memref<56xi32, #tpu.memory_space<vmem>>
    %dma_start3A_12 = arith.constant 0 : i32
    %dma_start3A_13 = arith.constant 0 : i32
    %dma_start3A_14 = arith.constant 0 : i32
    %dma_start3A_15 = tpu.memref_slice %arg3[%dma_start3A_12, %dma_start3A_13, %dma_start3A_14] : memref<1000x8x128xf32, #tpu.memory_space<hbm>> -> memref<1000x8x128xf32, #tpu.memory_space<hbm>>
    tpu.enqueue_indirect_dma source(%dma_start3A_15 : memref<1000x8x128xf32, #tpu.memory_space<hbm>>) target(%arg7 : memref<56x8x128xf32, #tpu.memory_space<vmem>>) offsets(%dma_start3A_11 : memref<56xi32, #tpu.memory_space<vmem>>) semaphore(%arg9 : memref<!tpu.dma_semaphore, #tpu.memory_space<semaphore_mem>>)
    %scan3A = arith.constant 0 : i32
    %scan3A_16 = arith.constant 0 : i32
    %scan3A_17 = arith.constant 16 : i32
    %scan3A_18 = arith.addi %scan3A_16, %scan3A_17 : i32
    %scan3A_19 = arith.constant 1 : i32
    scf.for %scan3A_48 = %scan3A_16 to %scan3A_18 step %scan3A_19  : i32 {
      %mul3A_49 = arith.constant 2 : i32
      %mul3A_50 = arith.muli %scan3A_48, %mul3A_49 : i32
      %add3A_51 = arith.constant 0 : i32
      %add3A_52 = arith.addi %mul3A_50, %add3A_51 : i32
      %mul3A_53 = arith.constant 56 : i32
      %mul3A_54 = arith.muli %add3A_52, %mul3A_53 : i32
      %dma_wait3A_55 = tpu.memref_slice %arg5[%mul3A_54] : memref<1792xi32, #tpu.memory_space<vmem>> -> memref<56xi32, #tpu.memory_space<vmem>>
      %dma_wait3A_56 = arith.constant 0 : i32
      %dma_wait3A_57 = arith.constant 0 : i32
      %dma_wait3A_58 = arith.constant 0 : i32
      %dma_wait3A_59 = tpu.memref_slice %arg3[%dma_wait3A_56, %dma_wait3A_57, %dma_wait3A_58] : memref<1000x8x128xf32, #tpu.memory_space<hbm>> -> memref<1000x8x128xf32, #tpu.memory_space<hbm>>
      tpu.wait_indirect_dma semaphore(%arg8 : memref<!tpu.dma_semaphore, #tpu.memory_space<semaphore_mem>>) src(%dma_wait3A_59 : memref<1000x8x128xf32, #tpu.memory_space<hbm>>) dst(%arg6 : memref<56x8x128xf32, #tpu.memory_space<vmem>>)
      %add3A_60 = arith.constant 0 : i32
      %add3A_61 = arith.addi %mul3A_50, %add3A_60 : i32
      %mul3A_62 = arith.constant 32 : i32
      %mul3A_63 = arith.muli %add3A, %mul3A_62 : i32
      %add3A_64 = arith.addi %mul3A_63, %add3A_61 : i32
      %dma_start3A_65 = arith.constant 0 : i32
      %dma_start3A_66 = arith.constant 0 : i32
      %dma_start3A_67 = arith.constant 0 : i32
      %dma_start3A_68 = tpu.memref_slice %arg4[%add3A_64, %dma_start3A_65, %dma_start3A_66, %dma_start3A_67] : memref<1024x56x8x128xf32, #tpu.memory_space<hbm>> -> memref<1x56x8x128xf32, #tpu.memory_space<hbm>>
      %dma_start3A_69 = tpu.memref_squeeze %dma_start3A_68 : memref<1x56x8x128xf32, #tpu.memory_space<hbm>> -> memref<56x8x128xf32, #tpu.memory_space<hbm>>
      %dma_start3A_70 = arith.constant 0 : i32
      %dma_start3A_71 = arith.constant 0 : i32
      %dma_start3A_72 = arith.constant 0 : i32
      %dma_start3A_73 = tpu.memref_slice %arg4[%add3A_64, %dma_start3A_70, %dma_start3A_71, %dma_start3A_72] : memref<1024x56x8x128xf32, #tpu.memory_space<hbm>> -> memref<1x56x8x128xf32, #tpu.memory_space<hbm>>
      %dma_start3A_74 = tpu.memref_squeeze %dma_start3A_73 : memref<1x56x8x128xf32, #tpu.memory_space<hbm>> -> memref<56x8x128xf32, #tpu.memory_space<hbm>>
      tpu.enqueue_dma source(%arg6 : memref<56x8x128xf32, #tpu.memory_space<vmem>>) target(%dma_start3A_74 : memref<56x8x128xf32, #tpu.memory_space<hbm>>) target_semaphore(%arg10 : memref<!tpu.dma_semaphore, #tpu.memory_space<semaphore_mem>>)
      %add3A_75 = arith.constant 1 : i32
      %add3A_76 = arith.addi %mul3A_50, %add3A_75 : i32
      %mul3A_77 = arith.constant 56 : i32
      %mul3A_78 = arith.muli %add3A_76, %mul3A_77 : i32
      %dma_wait3A_79 = tpu.memref_slice %arg5[%mul3A_78] : memref<1792xi32, #tpu.memory_space<vmem>> -> memref<56xi32, #tpu.memory_space<vmem>>
      %dma_wait3A_80 = arith.constant 0 : i32
      %dma_wait3A_81 = arith.constant 0 : i32
      %dma_wait3A_82 = arith.constant 0 : i32
      %dma_wait3A_83 = tpu.memref_slice %arg3[%dma_wait3A_80, %dma_wait3A_81, %dma_wait3A_82] : memref<1000x8x128xf32, #tpu.memory_space<hbm>> -> memref<1000x8x128xf32, #tpu.memory_space<hbm>>
      tpu.wait_indirect_dma semaphore(%arg9 : memref<!tpu.dma_semaphore, #tpu.memory_space<semaphore_mem>>) src(%dma_wait3A_83 : memref<1000x8x128xf32, #tpu.memory_space<hbm>>) dst(%arg7 : memref<56x8x128xf32, #tpu.memory_space<vmem>>)
      %add3A_84 = arith.constant 1 : i32
      %add3A_85 = arith.addi %mul3A_50, %add3A_84 : i32
      %mul3A_86 = arith.constant 32 : i32
      %mul3A_87 = arith.muli %add3A, %mul3A_86 : i32
      %add3A_88 = arith.addi %mul3A_87, %add3A_85 : i32
      %dma_start3A_89 = arith.constant 0 : i32
      %dma_start3A_90 = arith.constant 0 : i32
      %dma_start3A_91 = arith.constant 0 : i32
      %dma_start3A_92 = tpu.memref_slice %arg4[%add3A_88, %dma_start3A_89, %dma_start3A_90, %dma_start3A_91] : memref<1024x56x8x128xf32, #tpu.memory_space<hbm>> -> memref<1x56x8x128xf32, #tpu.memory_space<hbm>>
      %dma_start3A_93 = tpu.memref_squeeze %dma_start3A_92 : memref<1x56x8x128xf32, #tpu.memory_space<hbm>> -> memref<56x8x128xf32, #tpu.memory_space<hbm>>
      %dma_start3A_94 = arith.constant 0 : i32
      %dma_start3A_95 = arith.constant 0 : i32
      %dma_start3A_96 = arith.constant 0 : i32
      %dma_start3A_97 = tpu.memref_slice %arg4[%add3A_88, %dma_start3A_94, %dma_start3A_95, %dma_start3A_96] : memref<1024x56x8x128xf32, #tpu.memory_space<hbm>> -> memref<1x56x8x128xf32, #tpu.memory_space<hbm>>
      %dma_start3A_98 = tpu.memref_squeeze %dma_start3A_97 : memref<1x56x8x128xf32, #tpu.memory_space<hbm>> -> memref<56x8x128xf32, #tpu.memory_space<hbm>>
      tpu.enqueue_dma source(%arg7 : memref<56x8x128xf32, #tpu.memory_space<vmem>>) target(%dma_start3A_98 : memref<56x8x128xf32, #tpu.memory_space<hbm>>) target_semaphore(%arg11 : memref<!tpu.dma_semaphore, #tpu.memory_space<semaphore_mem>>)
      %add3A_99 = arith.constant 1 : i32
      %add3A_100 = arith.addi %scan3A_48, %add3A_99 : i32
      %lt3A = arith.constant 16 : i32
      %lt3A_101 = arith.cmpi slt, %add3A_100, %lt3A : i32
      %convert_element_type3A = arith.extui %lt3A_101 : i1 to i32
      %cond3A = arith.constant 0 : i32
      %cond3A_102 = arith.cmpi ne, %convert_element_type3A, %cond3A : i32
      scf.if %cond3A_102 {
        %add3A_103 = arith.constant 0 : i32
        %add3A_104 = arith.addi %mul3A_50, %add3A_103 : i32
        %mul3A_105 = arith.constant 32 : i32
        %mul3A_106 = arith.muli %add3A, %mul3A_105 : i32
        %add3A_107 = arith.addi %mul3A_106, %add3A_104 : i32
        %dma_wait3A_108 = arith.constant 0 : i32
        %dma_wait3A_109 = arith.constant 0 : i32
        %dma_wait3A_110 = arith.constant 0 : i32
        %dma_wait3A_111 = tpu.memref_slice %arg4[%add3A_107, %dma_wait3A_108, %dma_wait3A_109, %dma_wait3A_110] : memref<1024x56x8x128xf32, #tpu.memory_space<hbm>> -> memref<1x56x8x128xf32, #tpu.memory_space<hbm>>
        %dma_wait3A_112 = tpu.memref_squeeze %dma_wait3A_111 : memref<1x56x8x128xf32, #tpu.memory_space<hbm>> -> memref<56x8x128xf32, #tpu.memory_space<hbm>>
        %dma_wait3A_113 = arith.constant 0 : i32
        %dma_wait3A_114 = arith.constant 0 : i32
        %dma_wait3A_115 = arith.constant 0 : i32
        %dma_wait3A_116 = tpu.memref_slice %arg4[%add3A_107, %dma_wait3A_113, %dma_wait3A_114, %dma_wait3A_115] : memref<1024x56x8x128xf32, #tpu.memory_space<hbm>> -> memref<1x56x8x128xf32, #tpu.memory_space<hbm>>
        %dma_wait3A_117 = tpu.memref_squeeze %dma_wait3A_116 : memref<1x56x8x128xf32, #tpu.memory_space<hbm>> -> memref<56x8x128xf32, #tpu.memory_space<hbm>>
        tpu.wait_dma2 semaphore(%arg10 : memref<!tpu.dma_semaphore, #tpu.memory_space<semaphore_mem>>) src(%arg6 : memref<56x8x128xf32, #tpu.memory_space<vmem>>) dst(%dma_wait3A_117 : memref<56x8x128xf32, #tpu.memory_space<hbm>>)
        %add3A_118 = arith.constant 2 : i32
        %add3A_119 = arith.addi %mul3A_50, %add3A_118 : i32
        %add3A_120 = arith.constant 0 : i32
        %add3A_121 = arith.addi %add3A_119, %add3A_120 : i32
        %mul3A_122 = arith.constant 56 : i32
        %mul3A_123 = arith.muli %add3A_121, %mul3A_122 : i32
        %dma_start3A_124 = tpu.memref_slice %arg5[%mul3A_123] : memref<1792xi32, #tpu.memory_space<vmem>> -> memref<56xi32, #tpu.memory_space<vmem>>
        %dma_start3A_125 = arith.constant 0 : i32
        %dma_start3A_126 = arith.constant 0 : i32
        %dma_start3A_127 = arith.constant 0 : i32
        %dma_start3A_128 = tpu.memref_slice %arg3[%dma_start3A_125, %dma_start3A_126, %dma_start3A_127] : memref<1000x8x128xf32, #tpu.memory_space<hbm>> -> memref<1000x8x128xf32, #tpu.memory_space<hbm>>
        tpu.enqueue_indirect_dma source(%dma_start3A_128 : memref<1000x8x128xf32, #tpu.memory_space<hbm>>) target(%arg6 : memref<56x8x128xf32, #tpu.memory_space<vmem>>) offsets(%dma_start3A_124 : memref<56xi32, #tpu.memory_space<vmem>>) semaphore(%arg8 : memref<!tpu.dma_semaphore, #tpu.memory_space<semaphore_mem>>)
        %add3A_129 = arith.constant 1 : i32
        %add3A_130 = arith.addi %mul3A_50, %add3A_129 : i32
        %mul3A_131 = arith.constant 32 : i32
        %mul3A_132 = arith.muli %add3A, %mul3A_131 : i32
        %add3A_133 = arith.addi %mul3A_132, %add3A_130 : i32
        %dma_wait3A_134 = arith.constant 0 : i32
        %dma_wait3A_135 = arith.constant 0 : i32
        %dma_wait3A_136 = arith.constant 0 : i32
        %dma_wait3A_137 = tpu.memref_slice %arg4[%add3A_133, %dma_wait3A_134, %dma_wait3A_135, %dma_wait3A_136] : memref<1024x56x8x128xf32, #tpu.memory_space<hbm>> -> memref<1x56x8x128xf32, #tpu.memory_space<hbm>>
        %dma_wait3A_138 = tpu.memref_squeeze %dma_wait3A_137 : memref<1x56x8x128xf32, #tpu.memory_space<hbm>> -> memref<56x8x128xf32, #tpu.memory_space<hbm>>
        %dma_wait3A_139 = arith.constant 0 : i32
        %dma_wait3A_140 = arith.constant 0 : i32
        %dma_wait3A_141 = arith.constant 0 : i32
        %dma_wait3A_142 = tpu.memref_slice %arg4[%add3A_133, %dma_wait3A_139, %dma_wait3A_140, %dma_wait3A_141] : memref<1024x56x8x128xf32, #tpu.memory_space<hbm>> -> memref<1x56x8x128xf32, #tpu.memory_space<hbm>>
        %dma_wait3A_143 = tpu.memref_squeeze %dma_wait3A_142 : memref<1x56x8x128xf32, #tpu.memory_space<hbm>> -> memref<56x8x128xf32, #tpu.memory_space<hbm>>
        tpu.wait_dma2 semaphore(%arg11 : memref<!tpu.dma_semaphore, #tpu.memory_space<semaphore_mem>>) src(%arg7 : memref<56x8x128xf32, #tpu.memory_space<vmem>>) dst(%dma_wait3A_143 : memref<56x8x128xf32, #tpu.memory_space<hbm>>)
        %add3A_144 = arith.constant 2 : i32
        %add3A_145 = arith.addi %mul3A_50, %add3A_144 : i32
        %add3A_146 = arith.constant 1 : i32
        %add3A_147 = arith.addi %add3A_145, %add3A_146 : i32
        %mul3A_148 = arith.constant 56 : i32
        %mul3A_149 = arith.muli %add3A_147, %mul3A_148 : i32
        %dma_start3A_150 = tpu.memref_slice %arg5[%mul3A_149] : memref<1792xi32, #tpu.memory_space<vmem>> -> memref<56xi32, #tpu.memory_space<vmem>>
        %dma_start3A_151 = arith.constant 0 : i32
        %dma_start3A_152 = arith.constant 0 : i32
        %dma_start3A_153 = arith.constant 0 : i32
        %dma_start3A_154 = tpu.memref_slice %arg3[%dma_start3A_151, %dma_start3A_152, %dma_start3A_153] : memref<1000x8x128xf32, #tpu.memory_space<hbm>> -> memref<1000x8x128xf32, #tpu.memory_space<hbm>>
        tpu.enqueue_indirect_dma source(%dma_start3A_154 : memref<1000x8x128xf32, #tpu.memory_space<hbm>>) target(%arg7 : memref<56x8x128xf32, #tpu.memory_space<vmem>>) offsets(%dma_start3A_150 : memref<56xi32, #tpu.memory_space<vmem>>) semaphore(%arg9 : memref<!tpu.dma_semaphore, #tpu.memory_space<semaphore_mem>>)
      } else {
      }
    }
    %scan3A_20 = arith.constant 16 : i32
    %mul3A_21 = arith.constant 32 : i32
    %mul3A_22 = arith.muli %add3A, %mul3A_21 : i32
    %add3A_23 = arith.constant 30 : i32
    %add3A_24 = arith.addi %mul3A_22, %add3A_23 : i32
    %dma_wait3A = arith.constant 0 : i32
    %dma_wait3A_25 = arith.constant 0 : i32
    %dma_wait3A_26 = arith.constant 0 : i32
    %dma_wait3A_27 = tpu.memref_slice %arg4[%add3A_24, %dma_wait3A, %dma_wait3A_25, %dma_wait3A_26] : memref<1024x56x8x128xf32, #tpu.memory_space<hbm>> -> memref<1x56x8x128xf32, #tpu.memory_space<hbm>>
    %dma_wait3A_28 = tpu.memref_squeeze %dma_wait3A_27 : memref<1x56x8x128xf32, #tpu.memory_space<hbm>> -> memref<56x8x128xf32, #tpu.memory_space<hbm>>
    %dma_wait3A_29 = arith.constant 0 : i32
    %dma_wait3A_30 = arith.constant 0 : i32
    %dma_wait3A_31 = arith.constant 0 : i32
    %dma_wait3A_32 = tpu.memref_slice %arg4[%add3A_24, %dma_wait3A_29, %dma_wait3A_30, %dma_wait3A_31] : memref<1024x56x8x128xf32, #tpu.memory_space<hbm>> -> memref<1x56x8x128xf32, #tpu.memory_space<hbm>>
    %dma_wait3A_33 = tpu.memref_squeeze %dma_wait3A_32 : memref<1x56x8x128xf32, #tpu.memory_space<hbm>> -> memref<56x8x128xf32, #tpu.memory_space<hbm>>
    tpu.wait_dma2 semaphore(%arg10 : memref<!tpu.dma_semaphore, #tpu.memory_space<semaphore_mem>>) src(%arg6 : memref<56x8x128xf32, #tpu.memory_space<vmem>>) dst(%dma_wait3A_33 : memref<56x8x128xf32, #tpu.memory_space<hbm>>)
    %mul3A_34 = arith.constant 32 : i32
    %mul3A_35 = arith.muli %add3A, %mul3A_34 : i32
    %add3A_36 = arith.constant 31 : i32
    %add3A_37 = arith.addi %mul3A_35, %add3A_36 : i32
    %dma_wait3A_38 = arith.constant 0 : i32
    %dma_wait3A_39 = arith.constant 0 : i32
    %dma_wait3A_40 = arith.constant 0 : i32
    %dma_wait3A_41 = tpu.memref_slice %arg4[%add3A_37, %dma_wait3A_38, %dma_wait3A_39, %dma_wait3A_40] : memref<1024x56x8x128xf32, #tpu.memory_space<hbm>> -> memref<1x56x8x128xf32, #tpu.memory_space<hbm>>
    %dma_wait3A_42 = tpu.memref_squeeze %dma_wait3A_41 : memref<1x56x8x128xf32, #tpu.memory_space<hbm>> -> memref<56x8x128xf32, #tpu.memory_space<hbm>>
    %dma_wait3A_43 = arith.constant 0 : i32
    %dma_wait3A_44 = arith.constant 0 : i32
    %dma_wait3A_45 = arith.constant 0 : i32
    %dma_wait3A_46 = tpu.memref_slice %arg4[%add3A_37, %dma_wait3A_43, %dma_wait3A_44, %dma_wait3A_45] : memref<1024x56x8x128xf32, #tpu.memory_space<hbm>> -> memref<1x56x8x128xf32, #tpu.memory_space<hbm>>
    %dma_wait3A_47 = tpu.memref_squeeze %dma_wait3A_46 : memref<1x56x8x128xf32, #tpu.memory_space<hbm>> -> memref<56x8x128xf32, #tpu.memory_space<hbm>>
    tpu.wait_dma2 semaphore(%arg11 : memref<!tpu.dma_semaphore, #tpu.memory_space<semaphore_mem>>) src(%arg7 : memref<56x8x128xf32, #tpu.memory_space<vmem>>) dst(%dma_wait3A_47 : memref<56x8x128xf32, #tpu.memory_space<hbm>>)
    return
  }
}

module attributes {stable_mosaic.version = 14 : i64} {
  func.func @_tc_repack_body(%arg0: i32, %arg1: memref<8x56x8x128xf32, #tpu.memory_space<vmem>>, %arg2: memref<8x50x1000xf32, #tpu.memory_space<vmem>>) attributes {dimension_semantics = [#tpu.dimension_semantics<arbitrary>], iteration_bounds = array<i64: 128>, scalar_prefetch = 0 : i64, scratch_operands = 0 : i64, tpu.core_type = #tpu.core_type<tc>, window_params = [{transform_indices = @transform_0, window_bounds = array<i64: 8, 56, 8, 128>}, {transform_indices = @transform_1, window_bounds = array<i64: 8, 50, 1000>}]} {
    %get3A = arith.constant 0 : index
    %get3A_0 = arith.constant 0 : index
    %get3A_1 = arith.constant 0 : index
    %get3A_2 = arith.constant 0 : index
    %get3A_3 = vector.load %arg1[%get3A, %get3A_0, %get3A_1, %get3A_2] : memref<8x56x8x128xf32, #tpu.memory_space<vmem>>, vector<8x50x1x128xf32>
    %get3A_4 = vector.shape_cast %get3A_3 : vector<8x50x1x128xf32> to vector<8x50x128xf32>
    %swap3A = arith.constant 0 : index
    %swap3A_5 = arith.constant 0 : index
    %swap3A_6 = arith.constant 0 : index
    %swap3A_7 = vector.load %arg2[%swap3A, %swap3A_5, %swap3A_6] : memref<8x50x1000xf32, #tpu.memory_space<vmem>>, vector<8x50x128xf32>
    tpu.vector_store %arg2[%swap3A, %swap3A_5, %swap3A_6], %get3A_4 {strides = array<i32>} : memref<8x50x1000xf32, #tpu.memory_space<vmem>>, vector<8x50x128xf32>,
    %get3A_8 = arith.constant 0 : index
    %get3A_9 = arith.constant 0 : index
    %get3A_10 = arith.constant 1 : index
    %get3A_11 = arith.constant 0 : index
    %get3A_12 = vector.load %arg1[%get3A_8, %get3A_9, %get3A_10, %get3A_11] : memref<8x56x8x128xf32, #tpu.memory_space<vmem>>, vector<8x50x1x128xf32>
    %get3A_13 = vector.shape_cast %get3A_12 : vector<8x50x1x128xf32> to vector<8x50x128xf32>
    %swap3A_14 = arith.constant 0 : index
    %swap3A_15 = arith.constant 0 : index
    %swap3A_16 = arith.constant 128 : index
    %swap3A_17 = vector.load %arg2[%swap3A_14, %swap3A_15, %swap3A_16] : memref<8x50x1000xf32, #tpu.memory_space<vmem>>, vector<8x50x128xf32>
    tpu.vector_store %arg2[%swap3A_14, %swap3A_15, %swap3A_16], %get3A_13 {strides = array<i32>} : memref<8x50x1000xf32, #tpu.memory_space<vmem>>, vector<8x50x128xf32>,
    %get3A_18 = arith.constant 0 : index
    %get3A_19 = arith.constant 0 : index
    %get3A_20 = arith.constant 2 : index
    %get3A_21 = arith.constant 0 : index
    %get3A_22 = vector.load %arg1[%get3A_18, %get3A_19, %get3A_20, %get3A_21] : memref<8x56x8x128xf32, #tpu.memory_space<vmem>>, vector<8x50x1x128xf32>
    %get3A_23 = vector.shape_cast %get3A_22 : vector<8x50x1x128xf32> to vector<8x50x128xf32>
    %swap3A_24 = arith.constant 0 : index
    %swap3A_25 = arith.constant 0 : index
    %swap3A_26 = arith.constant 256 : index
    %swap3A_27 = vector.load %arg2[%swap3A_24, %swap3A_25, %swap3A_26] : memref<8x50x1000xf32, #tpu.memory_space<vmem>>, vector<8x50x128xf32>
    tpu.vector_store %arg2[%swap3A_24, %swap3A_25, %swap3A_26], %get3A_23 {strides = array<i32>} : memref<8x50x1000xf32, #tpu.memory_space<vmem>>, vector<8x50x128xf32>,
    %get3A_28 = arith.constant 0 : index
    %get3A_29 = arith.constant 0 : index
    %get3A_30 = arith.constant 3 : index
    %get3A_31 = arith.constant 0 : index
    %get3A_32 = vector.load %arg1[%get3A_28, %get3A_29, %get3A_30, %get3A_31] : memref<8x56x8x128xf32, #tpu.memory_space<vmem>>, vector<8x50x1x128xf32>
    %get3A_33 = vector.shape_cast %get3A_32 : vector<8x50x1x128xf32> to vector<8x50x128xf32>
    %swap3A_34 = arith.constant 0 : index
    %swap3A_35 = arith.constant 0 : index
    %swap3A_36 = arith.constant 384 : index
    %swap3A_37 = vector.load %arg2[%swap3A_34, %swap3A_35, %swap3A_36] : memref<8x50x1000xf32, #tpu.memory_space<vmem>>, vector<8x50x128xf32>
    tpu.vector_store %arg2[%swap3A_34, %swap3A_35, %swap3A_36], %get3A_33 {strides = array<i32>} : memref<8x50x1000xf32, #tpu.memory_space<vmem>>, vector<8x50x128xf32>,
    %get3A_38 = arith.constant 0 : index
    %get3A_39 = arith.constant 0 : index
    %get3A_40 = arith.constant 4 : index
    %get3A_41 = arith.constant 0 : index
    %get3A_42 = vector.load %arg1[%get3A_38, %get3A_39, %get3A_40, %get3A_41] : memref<8x56x8x128xf32, #tpu.memory_space<vmem>>, vector<8x50x1x128xf32>
    %get3A_43 = vector.shape_cast %get3A_42 : vector<8x50x1x128xf32> to vector<8x50x128xf32>
    %swap3A_44 = arith.constant 0 : index
    %swap3A_45 = arith.constant 0 : index
    %swap3A_46 = arith.constant 512 : index
    %swap3A_47 = vector.load %arg2[%swap3A_44, %swap3A_45, %swap3A_46] : memref<8x50x1000xf32, #tpu.memory_space<vmem>>, vector<8x50x128xf32>
    tpu.vector_store %arg2[%swap3A_44, %swap3A_45, %swap3A_46], %get3A_43 {strides = array<i32>} : memref<8x50x1000xf32, #tpu.memory_space<vmem>>, vector<8x50x128xf32>,
    %get3A_48 = arith.constant 0 : index
    %get3A_49 = arith.constant 0 : index
    %get3A_50 = arith.constant 5 : index
    %get3A_51 = arith.constant 0 : index
    %get3A_52 = vector.load %arg1[%get3A_48, %get3A_49, %get3A_50, %get3A_51] : memref<8x56x8x128xf32, #tpu.memory_space<vmem>>, vector<8x50x1x128xf32>
    %get3A_53 = vector.shape_cast %get3A_52 : vector<8x50x1x128xf32> to vector<8x50x128xf32>
    %swap3A_54 = arith.constant 0 : index
    %swap3A_55 = arith.constant 0 : index
    %swap3A_56 = arith.constant 640 : index
    %swap3A_57 = vector.load %arg2[%swap3A_54, %swap3A_55, %swap3A_56] : memref<8x50x1000xf32, #tpu.memory_space<vmem>>, vector<8x50x128xf32>
    tpu.vector_store %arg2[%swap3A_54, %swap3A_55, %swap3A_56], %get3A_53 {strides = array<i32>} : memref<8x50x1000xf32, #tpu.memory_space<vmem>>, vector<8x50x128xf32>,
    %get3A_58 = arith.constant 0 : index
    %get3A_59 = arith.constant 0 : index
    %get3A_60 = arith.constant 6 : index
    %get3A_61 = arith.constant 0 : index
    %get3A_62 = vector.load %arg1[%get3A_58, %get3A_59, %get3A_60, %get3A_61] : memref<8x56x8x128xf32, #tpu.memory_space<vmem>>, vector<8x50x1x128xf32>
    %get3A_63 = vector.shape_cast %get3A_62 : vector<8x50x1x128xf32> to vector<8x50x128xf32>
    %swap3A_64 = arith.constant 0 : index
    %swap3A_65 = arith.constant 0 : index
    %swap3A_66 = arith.constant 768 : index
    %swap3A_67 = vector.load %arg2[%swap3A_64, %swap3A_65, %swap3A_66] : memref<8x50x1000xf32, #tpu.memory_space<vmem>>, vector<8x50x128xf32>
    tpu.vector_store %arg2[%swap3A_64, %swap3A_65, %swap3A_66], %get3A_63 {strides = array<i32>} : memref<8x50x1000xf32, #tpu.memory_space<vmem>>, vector<8x50x128xf32>,
    %get3A_68 = arith.constant 0 : index
    %get3A_69 = arith.constant 0 : index
    %get3A_70 = arith.constant 7 : index
    %get3A_71 = arith.constant 0 : index
    %get3A_72 = vector.load %arg1[%get3A_68, %get3A_69, %get3A_70, %get3A_71] : memref<8x56x8x128xf32, #tpu.memory_space<vmem>>, vector<8x50x1x104xf32>
    %get3A_73 = vector.shape_cast %get3A_72 : vector<8x50x1x104xf32> to vector<8x50x104xf32>
    %swap3A_74 = arith.constant 0 : index
    %swap3A_75 = arith.constant 0 : index
    %swap3A_76 = arith.constant 896 : index
    %swap3A_77 = vector.load %arg2[%swap3A_74, %swap3A_75, %swap3A_76] : memref<8x50x1000xf32, #tpu.memory_space<vmem>>, vector<8x50x104xf32>
    tpu.vector_store %arg2[%swap3A_74, %swap3A_75, %swap3A_76], %get3A_73 {strides = array<i32>} : memref<8x50x1000xf32, #tpu.memory_space<vmem>>, vector<8x50x104xf32>,
    return
  }
  func.func @transform_0(%arg0: i32) -> (i32, i32, i32, i32) {
    %c0_i32 = arith.constant 0 : i32
    %c0_i32_0 = arith.constant 0 : i32
    %c0_i32_1 = arith.constant 0 : i32
    %c0_i32_2 = arith.constant 0 : i32
    return %arg0, %c0_i32, %c0_i32_0, %c0_i32_1 : i32, i32, i32, i32
  }
  func.func @transform_1(%arg0: i32) -> (i32, i32, i32) {
    %c0_i32 = arith.constant 0 : i32
    %c0_i32_0 = arith.constant 0 : i32
    %c0_i32_1 = arith.constant 0 : i32
    return %arg0, %c0_i32, %c0_i32_0 : i32, i32, i32
  }
}

</mosaic_0001>

<sc_bundles>
// kernel: kernel.4.cloned.1.call-start
scs
__scs_entry_jumppad:
0x0: {  	(pc) =	sbr.rel $0x88, $3  }
0x1: {  	(tag) =	ssettag $0x0;
	lr =	simm.s32 $0x1  }
0x2: {  	[smem:$0x3F9F] =	sst lr;
	_ =	strace $0xD0000000  }
0x3: {  	_ = 	snop  }
0x4: {  	_ = 	snop  }
0x5: {  	_ = 	snop  }
0x6: {  	_ = 	snop  }
0x7: {  	_ = 	snop  }
__scs_overlays_trampoline_lowered:
0x8: {  	[smem:$0x3FAE] =	sst s0  }
0x9: {  	[smem:$0x3FAF] =	sst s1  }
0xa: {  	[smem:$0x3FB0] =	sst s2  }
0xb: {  	[smem:$0x3FB1] =	sst s3  }
0xc: {  	[smem:$0x3FB2] =	sst s4  }
0xd: {  	[smem:$0x3FB3] =	sst s5  }
0xe: {  	[smem:$0x3FB4] =	sst s6  }
0xf: {  	[smem:$0x3FB5] =	sst s7  }
0x10: {  	[smem:$0x3FB6] =	sst s8  }
0x11: {  	[smem:$0x3FB7] =	sst s9;
	s0 =	simm.s32 @!p0 $0x0  }
0x12: {  	s1 =	sld [smem:$0x3F9D];
	s0 =	simm.s32 @p0 $0x1  }
0x13: {  	[smem:$0x3FB8] =	sst s0;
	s0 =	simm.s32 @!p1 $0x0  }
0x14: {  	s2 =	sld [smem:$0x3F9C];
	s0 =	simm.s32 @p1 $0x1  }
0x15: {  	[smem:$0x3FB9] =	sst s0;
	s0 =	simm.s32 @!p2 $0x0  }
0x16: {  	s3 =	sld [smem:$0x3FDB];
	s0 =	simm.s32 @p2 $0x1  }
0x17: {  	s4 =	simm.s32 $0x1BF5;
	[smem:$0x3FBB] =	sst s0  }
0x18: {  	s0 =	sld [smem:$0x3F9E];
	_ =	swait.ge [sflag:s4], $0x0  }
0x19: {  	s7 =	sld [smem:$0x3F9F]  }
0x1a: {  	s8 =	sadd.s32 $0xFFFFE003, lr  }
0x1b: {  	s9 =	sadd.s32 $0xFFFFFEF7, lr;
	s5 =	simm.s32 $0xFFFFFFFF;
	p2 =	slt.u32 s8, $0xFFFFF086  }
0x1c: {  	p1 =	slt.u32 s9, $0xF7A;
	s5 =	simm.s32 @!p2 $0x0  }
0x1d: {  	s5 =	simm.s32 @p1 $0x1;
	p0 =	seq.s32 s7, s2  }
0x1e: {  	s7 =	smul.u32 @!p0 $0xF7A, s2;
	p2 =	seq.s32 @!p0 s5, $0x0  }
0x1f: {  	s9 =	smul.u32 $0xF7A, s1;
	s8 =	simm.s32 @!p0 $0x1BF5;
	p2 =	por !p2, p0  }
0x20: {  	[sflag:s8] =	ssyncset.s32 @!p0 $0xFFFFF086;
	s6 =	sadd.s32 @!p0 s3, s7;
	s7 =	simm.s32 @!p0 $0x108  }
0x21: {  	s3 =	sadd.s32 s3, s9;
	s6 =	sadd.s32 @!p0 $0x88, s6;
	s7 =	simm.s32 @p2 $0x1082  }
0x22: {  	[simem:s7], [sflag:s8] =	dma.local @!p0 [hbm:s6], $0xF7A  }
0x23: {  	s9 =	sor.u32 $0xD0000000, s2;
	s6 =	simm.s32 $0x108;
	_ =	swait.ge @!p0 [sflag:s8], $0x0  }
0x24: {  	s3 =	sadd.s32 $0x88, s3;
	s6 =	simm.s32 @!p1 $0x1082;
	[sflag:s4] =	ssyncset.s32 $0xFFFFF086  }
0x25: {  	[simem:s6], [sflag:s4] =	dma.local [hbm:s3], $0xF7A  }
0x26: {  	[smem:$0x3F9F] =	sst s1;
	(tag) =	ssettag s2;
	_ =	strace s9  }
0x27: {  	s1 =	sld [smem:$0x3FAF]  }
0x28: {  	s2 =	sld [smem:$0x3FB0]  }
0x29: {  	s4 =	sld [smem:$0x3FB2]  }
0x2a: {  	p0 =	seq.s32 s5, $0x0;
	s5 =	sld [smem:$0x3FB3]  }
0x2b: {  	s6 =	sld [smem:$0x3FB4]  }
0x2c: {  	s7 =	sld [smem:$0x3FB5]  }
0x2d: {  	s3 =	simm.s32 $0x108;
	s8 =	sld [smem:$0x3FB6]  }
0x2e: {  	s3 =	simm.s32 @!p0 $0x1082;
	s9 =	sld [smem:$0x3FB7]  }
0x2f: {  	lr =	sadd.s32 s0, s3;
	s0 =	sld [smem:$0x3FAE]  }
0x30: {  	s3 =	sld [smem:$0x3FB1]  }
0x31: {  	[smem:$0x3FBA] =	sst s10  }
0x32: {  	s10 =	sld [smem:$0x3FB8];
	_ =	sdelay $0x3  }
0x33: {  	p0 =	seq.s32 s10, $0x1;
	s10 =	sld [smem:$0x3FBA];
	_ =	sdelay $0x3  }
0x34: {  	[smem:$0x3FBA] =	sst s10  }
0x35: {  	s10 =	sld [smem:$0x3FB9];
	_ =	sdelay $0x3  }
0x36: {  	p1 =	seq.s32 s10, $0x1;
	s10 =	sld [smem:$0x3FBA];
	_ =	sdelay $0x3  }
0x37: {  	[smem:$0x3FBA] =	sst s10  }
0x38: {  	s10 =	sld [smem:$0x3FBB]  }
0x39: {  	_ = 	snop;
	(pc) =	sbr.ind lr, $3  }
0x3a: {  	_ = 	snop  }
0x3b: {  	_ = 	snop  }
0x3c: {  	p2 =	seq.s32 s10, $0x1;
	s10 =	sld [smem:$0x3FBA]  }
0x3d: {  	_ =	shalt  }
0x3e: {  	_ =	shalt  }
0x3f: {  	_ =	shalt  }
0x40: {  	_ =	shalt  }
0x41: {  	_ =	shalt  }
0x42: {  	_ =	shalt  }
0x43: {  	_ =	shalt  }
0x44: {  	_ =	shalt  }
0x45: {  	_ =	shalt  }
0x46: {  	_ =	shalt  }
0x47: {  	_ =	shalt  }
0x48: {  	_ =	shalt  }
0x49: {  	_ =	shalt  }
0x4a: {  	_ =	shalt  }
0x4b: {  	_ =	shalt  }
0x4c: {  	_ =	shalt  }
0x4d: {  	_ =	shalt  }
0x4e: {  	_ =	shalt  }
0x4f: {  	_ =	shalt  }
0x50: {  	_ =	shalt  }
0x51: {  	_ =	shalt  }
0x52: {  	_ =	shalt  }
0x53: {  	_ =	shalt  }
0x54: {  	_ =	shalt  }
0x55: {  	_ =	shalt  }
0x56: {  	_ =	shalt  }
0x57: {  	_ =	shalt  }
0x58: {  	_ =	shalt  }
0x59: {  	_ =	shalt  }
0x5a: {  	_ =	shalt  }
0x5b: {  	_ =	shalt  }
0x5c: {  	_ =	shalt  }
0x5d: {  	_ =	shalt  }
0x5e: {  	_ =	shalt  }
0x5f: {  	_ =	shalt  }
0x60: {  	_ =	shalt  }
0x61: {  	_ =	shalt  }
0x62: {  	_ =	shalt  }
0x63: {  	_ =	shalt  }
0x64: {  	_ =	shalt  }
0x65: {  	_ =	shalt  }
0x66: {  	_ =	shalt  }
0x67: {  	_ =	shalt  }
0x68: {  	_ =	shalt  }
0x69: {  	_ =	shalt  }
0x6a: {  	_ =	shalt  }
0x6b: {  	_ =	shalt  }
0x6c: {  	_ =	shalt  }
0x6d: {  	_ =	shalt  }
0x6e: {  	_ =	shalt  }
0x6f: {  	_ =	shalt  }
0x70: {  	_ =	shalt  }
0x71: {  	_ =	shalt  }
0x72: {  	_ =	shalt  }
0x73: {  	_ =	shalt  }
0x74: {  	_ =	shalt  }
0x75: {  	_ =	shalt  }
0x76: {  	_ =	shalt  }
0x77: {  	_ =	shalt  }
0x78: {  	_ =	shalt  }
0x79: {  	_ =	shalt  }
0x7a: {  	_ =	shalt  }
0x7b: {  	_ =	shalt  }
0x7c: {  	_ =	shalt  }
0x7d: {  	_ =	shalt  }
0x7e: {  	_ =	shalt  }
0x7f: {  	_ =	shalt  }
0x80: {  	_ =	shalt  }
0x81: {  	_ =	shalt  }
0x82: {  	_ =	shalt  }
0x83: {  	_ =	shalt  }
0x84: {  	_ =	shalt  }
0x85: {  	_ =	shalt  }
0x86: {  	_ =	shalt  }
0x87: {  	_ =	shalt  }
.Lfunc_end0:
.L_simem_size_0:
called_computation_lowered:
.L_overlay_start_0:
0x88: {  	s2 =	sld [smem:$0x3FD9]  }
0x89: {  	s3 =	sld [smem:$0x3FFE];
	_ =	sdelay $0x1  }
0x8a: {  	s1 =	srdreg.scid  }
0x8b: {  	s0 =	sand.u32 $0x1, s1  }
0x8c: {  	s17 =	sshll.u32 s0, $0xA;
	s2 =	sadd.s32 s3, s2  }
0x8d: {  	s2 =	sadd.s32 s2, s17  }
0x8e: {  	[smem:$0x3FC6] =	sst s2  }
0x8f: {  	_ = 	snop  }
0x90: {  	s2 =	sld [smem:$0x3FD0];
	(tm) =	ssettm $0x1  }
0x91: {  	s18 =	sld [smem:$0x3FFB];
	_ =	sdelay $0x3  }
0x92: {  	_ =	strace s18  }
0x93: {  	s3 =	sld [smem:$0x3FFC];
	_ =	sdelay $0x3  }
0x94: {  	_ =	strace s3  }
0x95: {  	s3 =	sld [smem:$0x3FFD];
	_ =	sdelay $0x3  }
0x96: {  	_ =	strace s3  }
0x97: {  	_ =	strace $0x8FFFFFFF  }
0x98: {  	s19 =	sld [smem:$0x3FDB];
	_ =	sdelay $0x1  }
0x99: {  	s4 =	simm.s32 $_scs_section_size  }
0x9a: {  	s5 =	simm.s32 $_size__tile_overlayer_lowered;
	s6 =	simm.s32 $_tile_overlayer_lowered  }
0x9b: {  	s22 =	simm.s32 $0x1BFF;
	s21 =	sshll.u32 s6, $0x1;
	s3 =	sadd.s32 s4, s19  }
0x9c: {  	s7 =	simm.s32 $0x0;
	s20 =	sshll.u32 s5, $0x1;
	s5 =	sadd.s32 s21, s3  }
0x9d: {  	[timem:s7], [sflag:s22] =	dma.local [hbm:s5], s20  }
0x9e: {  	_ =	swait.ge [sflag:s22], s20  }
0x9f: {  	s4 =	ssub.s32 $0x0, s20;
	[sflag:s22] =	ssyncset.done $0x0  }
0xa0: {  	[sflag:s22] =	ssyncadd.s32 s4;
	_ =	sdelay $0x1  }
0xa1: {  	s23 =	simm.s32 $0x1B8B  }
0xa2: {  	_ =	swait.ge [sflag:s23], $0x1  }
0xa3: {  	[sflag:s23] =	ssyncset.done $0x0  }
0xa4: {  	s25 =	simm.s32 $0x1B8E;
	s24 =	sld [smem:$0x3FFE];
	[sflag:s23] =	ssyncadd.s32 $0xFFFFFFFF  }
0xa5: {  	s26 =	simm.s32 $execute0_lowered;
	[smem:$0x3FD2] =	sst s25  }
0xa6: {  	s5 =	sshll.u32 s26, $0x1;
	_ =	strace $0x80000046;
	[dreg:$0x1] =	wrdreg $0xFFFFFFFF  }
0xa7: {  	s28 =	simm.s32 $_size_execute0_lowered;
	s3 =	sadd.s32 s3, s5;
	[dreg:$0x0] =	wrdreg $0x0  }
0xa8: {  	s5 =	sshll.u32 s28, $0x1;
	[dreg:$0x2] =	wrdreg s3  }
0xa9: {  	[dreg:$0x3] =	wrdreg s5  }
0xaa: {  	[dreg:$0x4] =	wrdreg $0xC0  }
0xab: {  	_ =	task [dreg:s7], $0x5FFFF  }
0xac: {  	[dreg:$0x1] =	wrdreg $0xFFFFFFFF  }
0xad: {  	[dreg:$0x0] =	wrdreg $0x60  }
0xae: {  	[dreg:$0x2] =	wrdreg s24  }
0xaf: {  	[dreg:$0x3] =	wrdreg s2  }
0xb0: {  	[dreg:$0x4] =	wrdreg $0x9  }
0xb1: {  	_ =	task.clear_ibuf [dreg:s7], $0x5FFFF;
	_ =	strace $0x90000046  }
0xb2: {  	s29 =	simm.s32 $0x9;
	_ =	strace $0x80000048  }
0xb3: {  	_ =	swait.ge [sflag:s29], $0x1  }
0xb4: {  	[sflag:s29] =	ssyncadd.s32 $0xFFFFFFFF  }
0xb5: {  	_ =	strace $0x90000048  }
0xb6: {  	_ =	sfence  }
0xb7: {  	s30 =	sld [smem:$0x0];
	_ =	sdelay $0x2  }
0xb8: {  	s31 =	sshll.u32 s1, $0xD;
	s1 =	sshrl.u32 s1, $0x2  }
0xb9: {  	s3 =	sand.u32 $0x4000, s31;
	s1 =	sadd.s32 s1, s30  }
0xba: {  	s0 =	sor.u32 s3, s0;
	s1 =	sshll.u32 s1, $0x11  }
0xbb: {  	s0 =	sor.u32 s1, s0  }
0xbc: {  	s0 =	sadd.s32 $0x8F2B, s0  }
0xbd: {  	[sflag:s0] =	ssyncadd.remote.s32 $0x1  }
0xbe: {  	_ =	sfence.sel $0xFFFF  }
0xbf: {  	[dreg:$0x0] =	wrdreg $0xFFFFFFFF;
	(pc) =	sbr.abs _section_cstart, $3  }
0xc0: {  	[dreg:$0x1] =	wrdreg $0xFFFFFFFF  }
0xc1: {  	_ =	task.clear_ibuf [dreg:s7], $0x2FFFF;
	_ =	strace $0x9FFFFFFF  }
0xc2: {  	(tm) =	ssettm $0x7FFFFFFF  }
0xc3: {  	_ =	shalt  }
tec
execute0_lowered:
.L_overlay_start_1:
0x0: {  	(tag) =	ssettag $0x1  }
0x1: {  	s4 =	rddreg [dreg:$0x0]  }
0x2: {  	s1 =	srdreg.scid;
	s0 =	stileid.u32  }
0x3: {  	s2 =	rddreg [dreg:$0x1];
	s3 =	simm.s32 $0x0;
	s12 =	simm.s32 $0xE700  }
0x4: {  	s13 =	simm.s32 $0x1;
	s14 =	simm.s32 $0x2;
	s15 =	simm.s32 $0x3  }
0x5: {  	s16 =	simm.s32 $0x4;
	s17 =	simm.s32 $0x0;
	s5 =	sand.u32 $0x1, s1  }
0x6: {  	s6 =	sshll.u32 s0, $0x1;
	s1 =	rddreg [dreg:$0x2];
	s10 =	smul.u32 $0x70000, s0  }
0x7: {  	[smem:$0x7FF] =	sst s3;
	s6 =	sor.u32 s5, s6;
	s11 =	smul.u32 $0x38000, s5  }
0x8: {  	s9 =	sadd.s32 $0x2000, s4;
	s8 =	ssub.s32 $0x2, s5;
	s7 =	smul.u32 $0xE0, s6  }
0x9: {  	_ =	strace $0x80000047;
	s6 =	smul.u32 $0x38000, s6;
	s29 =	sshrl.u32 s8, $0x1  }
0xa: {  	s31 =	sadd.s32 s10, s9;
	s10 =	simm.s32 $0x38;
	s8 =	ssub.s32 s8, s29  }
0xb: {  	s7 =	sadd.s32 s7, s4;
	s5 =	smax.u32 s8, $0x1;
	s30 =	sadd.s32 s9, s6  }
0xc: {  	s8 =	sadd.s32 s11, s31;
	s9 =	simm.s32 $0x5;
	s11 =	simm.s32 $0x700  }
0xd: {  	s4 =	sadd.s32 $0x400, s7;
	s6 =	sadd.s32 $0x34800, s30;
	s7 =	sadd.s32 $0x36400, s30  }
.LBB2_1:
0xe: {  	[tilespmem:s3], [sflag:$0x5] =	stream.linear.gather [hbm4b:s4+s3], $0x700, $0x38;
	[tilespmem:$0x1C700] =	vst v63  }
0xf: {  	_ =	swait.ge [sflag:s9], $0x700  }
0x10: {  	[sflag:s9] =	ssyncset.done $0x0  }
0x11: {  	[sflag:s9] =	ssyncadd.s32 $0xFFFFF900  }
0x12: {  	[tilespmem:s11], [sflag:$0x1] =	stream.indirect.gather [hbm4b:s2+s10], $0x400, s3, s10, $0xb8;
	[tilespmem:$0x1C700] =	vst v63  }
0x13: {  	_ = 	snop  }
0x14: {  	[tilespmem:s12], [sflag:$0x2] =	stream.indirect.gather [hbm4b:s2+s10], $0x400, s10, s10, $0xb8;
	[tilespmem:$0x1C700] =	vst v63  }
0x15: {  	_ =	swait.ge [sflag:s13], $0xE000  }
0x16: {  	[sflag:s13] =	ssyncset.done $0x0  }
0x17: {  	s18 =	sadd.s32 $0x0, s8;
	[sflag:s13] =	ssyncadd.s32 $0xFFFF2000  }
0x18: {  	[hbm4b:s18+s3] =	stream.linear.scatter [tilespmem:s11], [sflag:$0x3], $0xE000, $0x38;
	[tilespmem:$0x1C700] =	vst v63  }
0x19: {  	_ =	swait.ge [sflag:s14], $0xE000  }
0x1a: {  	[sflag:s14] =	ssyncset.done $0x0  }
0x1b: {  	s18 =	sadd.s32 $0x1C00, s18;
	[sflag:s14] =	ssyncadd.s32 $0xFFFF2000  }
0x1c: {  	[hbm4b:s18+s3] =	stream.linear.scatter [tilespmem:s12], [sflag:$0x4], $0xE000, $0x38;
	[tilespmem:$0x1C700] =	vst v63  }
0x1d: {  	_ =	swait.ge [sflag:s15], $0xE000  }
0x1e: {  	[sflag:s15] =	ssyncset.done $0x0  }
0x1f: {  	s31 =	simm.s32 $0x70;
	[sflag:s15] =	ssyncadd.s32 $0xFFFF2000  }
0x20: {  	[tilespmem:s11], [sflag:$0x1] =	stream.indirect.gather [hbm4b:s2+s10], $0x400, s31, s10, $0xb8;
	[tilespmem:$0x1C700] =	vst v63  }
0x21: {  	_ =	swait.ge [sflag:s16], $0xE000  }
0x22: {  	s19 =	simm.s32 $0x3800;
	[sflag:s16] =	ssyncset.done $0x0  }
0x23: {  	s20 =	simm.s32 $0x118;
	s18 =	simm.s32 $0xA8;
	[sflag:s16] =	ssyncadd.s32 $0xFFFF2000  }
.LBB2_2:
0x24: {  	[tilespmem:s12], [sflag:$0x2] =	stream.indirect.gather [hbm4b:s2+s10], $0x400, s18, s10, $0xb8;
	[tilespmem:$0x1C700] =	vst v63  }
0x25: {  	s21 =	smov.u32 s19;
	s18 =	smov.u32 s20  }
0x26: {  	p0 =	sne.s32 s19, $0x31000;
	s19 =	sadd.s32 $0x3800, s19;
	_ =	swait.ge [sflag:s13], $0xE000  }
0x27: {  	[sflag:s13] =	ssyncset.done $0x0  }
0x28: {  	s21 =	sadd.s32 s21, s8;
	[sflag:s13] =	ssyncadd.s32 $0xFFFF2000  }
0x29: {  	[hbm4b:s21+s3] =	stream.linear.scatter [tilespmem:s11], [sflag:$0x3], $0xE000, $0x38;
	[tilespmem:$0x1C700] =	vst v63  }
0x2a: {  	_ =	swait.ge [sflag:s14], $0xE000  }
0x2b: {  	[sflag:s14] =	ssyncset.done $0x0  }
0x2c: {  	s21 =	sadd.s32 $0x1C00, s21;
	[sflag:s14] =	ssyncadd.s32 $0xFFFF2000  }
0x2d: {  	[hbm4b:s21+s3] =	stream.linear.scatter [tilespmem:s12], [sflag:$0x4], $0xE000, $0x38;
	[tilespmem:$0x1C700] =	vst v63  }
0x2e: {  	_ =	swait.ge [sflag:s15], $0xE000  }
0x2f: {  	[sflag:s15] =	ssyncset.done $0x0  }
.Ltmp0:
0x30: {  	s21 =	sadd.s32 $0xFFFFFFC8, s20;
	[sflag:s15] =	ssyncadd.s32 $0xFFFF2000;
	(pc) =	sbr.rel @p0 .LBB2_2-.Ltmp0, $4  }
0x31: {  	[tilespmem:s11], [sflag:$0x1] =	stream.indirect.gather [hbm4b:s2+s10], $0x400, s21, s10, $0xb8;
	[tilespmem:$0x1C700] =	vst v63  }
0x32: {  	_ =	swait.ge [sflag:s16], $0xE000  }
0x33: {  	[sflag:s16] =	ssyncset.done $0x0  }
0x34: {  	s20 =	sadd.s32 $0x70, s20;
	[sflag:s16] =	ssyncadd.s32 $0xFFFF2000  }
0x35: {  	[tilespmem:s12], [sflag:$0x2] =	stream.indirect.gather [hbm4b:s2+s10], $0x400, s18, s10, $0xb8;
	[tilespmem:$0x1C700] =	vst v63  }
0x36: {  	_ =	swait.ge [sflag:s13], $0xE000  }
0x37: {  	[sflag:s13] =	ssyncset.done $0x0  }
0x38: {  	[sflag:s13] =	ssyncadd.s32 $0xFFFF2000  }
0x39: {  	[hbm4b:s6+s3] =	stream.linear.scatter [tilespmem:s11], [sflag:$0x3], $0xE000, $0x38;
	[tilespmem:$0x1C700] =	vst v63  }
0x3a: {  	_ =	swait.ge [sflag:s14], $0xE000  }
0x3b: {  	[sflag:s14] =	ssyncset.done $0x0  }
0x3c: {  	s17 =	sadd.s32 $0x1, s17;
	[sflag:s14] =	ssyncadd.s32 $0xFFFF2000  }
0x3d: {  	[hbm4b:s7+s3] =	stream.linear.scatter [tilespmem:s12], [sflag:$0x4], $0xE000, $0x38;
	[tilespmem:$0x1C700] =	vst v63  }
0x3e: {  	p0 =	sne.s32 s17, s5;
	_ =	swait.ge [sflag:s15], $0xE000  }
.Ltmp1:
0x3f: {  	[sflag:s15] =	ssyncset.done $0x0;
	(pc) =	sbr.rel @p0 .LBB2_1-.Ltmp1, $4  }
0x40: {  	[sflag:s15] =	ssyncadd.s32 $0xFFFF2000  }
0x41: {  	_ =	swait.ge [sflag:s16], $0xE000  }
0x42: {  	[sflag:s16] =	ssyncset.done $0x0  }
0x43: {  	[sflag:s16] =	ssyncadd.s32 $0xFFFF2000  }
0x44: {  	_ =	sfence.sel $0x180000  }
0x45: {  	[bflag:$0x0] =	sbarrier.arrive $0xFFFF  }
0x46: {  	p0 =	sne.s32 s0, $0x0;
	_ =	strace $0x90000047  }
0x47: {  	s0 =	sadd.s32 @!p0 $0x100000, s1;
	[bflag:$0x2] =	sbarrier.arrive $0xFFFF  }
0x48: {  	[sflag:s0] =	ssyncadd.tile.s32 @!p0 $0x1;
	_ =	shalt  }
.Lfunc_end2:
_tile_overlayer_lowered:
.L_overlay_start_2:
0x49: {  	(tag) =	ssettag $0x2  }
0x4a: {  	s0 =	rddreg [dreg:$0x0];
	s2 =	stileid.u32  }
0x4b: {  	s1 =	rddreg [dreg:$0x1];
	p0 =	sne.s32 s2, $0x0  }
0x4c: {  	s3 =	rddreg [dreg:$0x2];
	[bflag:$0x3] =	sbarrier.arrive $0xFFFF;
	s2 =	simm.s32 @!p0 $0x1C05  }
0x4d: {  	[timem:s3], [sflag:s2] =	dma.local @!p0 [hbm:s0], s1  }
0x4e: {  	s0 =	simm.s32 @!p0 $0x5  }
0x4f: {  	_ =	swait.ge @!p0 [sflag:s0], s1  }
0x50: {  	s1 =	ssub.s32 @!p0 $0x0, s1;
	[sflag:s0] =	ssyncset.done @!p0 $0x0  }
0x51: {  	[sflag:s0] =	ssyncadd.s32 @!p0 s1  }
0x52: {  	[bflag:$0x3] =	sbarrier.arrive $0xFFFF  }
0x53: {  	_ =	shalt  }

</sc_bundles>
